<compile_context>
chip_gen: v7x
topology: tpu7x:2x2x1
jax: 0.10.2.dev20260603
libtpu: 0.0.44.dev20260713+nightly
codegen_flags: <defaults>
</compile_context>

<pallas_src>
import functools

import jax
import jax.numpy as jnp
from jax import lax
from jax.experimental import pallas as pl
from jax.experimental.pallas import tpu as pltpu
from jax.experimental.pallas import tpu_sc as plsc

NC, NS, L = 2, 16, 16
NW = NC * NS
CH = 64
SPLIT0_PCT = 74

_SC_PARAMS = pltpu.CompilerParams(needs_layout_passes=False)


def _mesh():
    return plsc.VectorSubcoreMesh(core_axis_name="c", subcore_axis_name="s")


@functools.partial(jax.jit, static_argnums=(2, 3))
def _dis_call(colp, wp, EP, NP):
    EPW = EP // NS
    S = NP // NS

    @functools.partial(
        pl.kernel,
        out_type=jax.ShapeDtypeStruct((NP,), jnp.float32),
        mesh=_mesh(),
        compiler_params=_SC_PARAMS,
        scratch_types=[
            pltpu.VMEM_SHARED((NS, NP), jnp.float32),
            pltpu.VMEM((EPW,), jnp.int32),
            pltpu.VMEM((EPW,), jnp.float32),
            pltpu.VMEM((NP,), jnp.float32),
            pltpu.VMEM((S,), jnp.float32),
            pltpu.VMEM((S,), jnp.float32),
        ],
    )
    def dis_kernel(col_hbm, w_hbm, dis_hbm, part_sh, col_v, w_v, deg_v, racc_v, rtmp_v):
        cid = lax.axis_index("c")
        sid = lax.axis_index("s")

        def z(i, _):
            deg_v[pl.ds(i * L, L)] = jnp.zeros((L,), jnp.float32)
            return 0

        lax.fori_loop(0, NP // L, z, 0)
        base = sid * EPW
        pltpu.sync_copy(col_hbm.at[pl.ds(base, EPW)], col_v)
        pltpu.sync_copy(w_hbm.at[pl.ds(base, EPW)], w_v)

        def body(i, _):
            idx = col_v[pl.ds(i * L, L)]
            wv = w_v[pl.ds(i * L, L)]
            plsc.addupdate_scatter(deg_v, [idx], wv)
            return 0

        lax.fori_loop(0, EPW // L, body, 0)
        pltpu.sync_copy(deg_v, part_sh.at[sid])
        plsc.subcore_barrier()

        def z2(i, _):
            racc_v[pl.ds(i * L, L)] = jnp.ones((L,), jnp.float32)
            return 0

        lax.fori_loop(0, S // L, z2, 0)

        def red(t, _):
            pltpu.sync_copy(part_sh.at[t, pl.ds(sid * S, S)], rtmp_v)

            def addv(i, _):
                racc_v[pl.ds(i * L, L)] = (
                    racc_v[pl.ds(i * L, L)] + rtmp_v[pl.ds(i * L, L)]
                )
                return 0

            lax.fori_loop(0, S // L, addv, 0)
            return 0

        lax.fori_loop(0, NS, red, 0)

        def nrs(i, _):
            xx = racc_v[pl.ds(i * L, L)]
            ii = plsc.bitcast(xx, jnp.int32)
            ii = 0x5F3759DF - (ii >> 1)
            yy = plsc.bitcast(ii, jnp.float32)
            half = xx * 0.5
            yy = yy * (1.5 - half * yy * yy)
            yy = yy * (1.5 - half * yy * yy)
            yy = yy * (1.5 - half * yy * yy)
            racc_v[pl.ds(i * L, L)] = yy
            return 0

        lax.fori_loop(0, S // L, nrs, 0)

        @pl.when(cid == 0)
        def _():
            pltpu.sync_copy(racc_v, dis_hbm.at[pl.ds(sid * S, S)])

    return dis_kernel(colp, wp)


def _y_call(xp, W, R):
    NP = xp.shape[0]
    G = NP // R
    D = W.shape[1]

    def body(x_ref, w_ref, y_ref, sinv_ref):
        @pl.when(pl.program_id(0) == 0)
        def _():
            Wm = w_ref[...]
            A = lax.dot_general(
                Wm, Wm, (((1,), (1,)), ((), ())), preferred_element_type=jnp.float32
            )
            r_i = lax.broadcasted_iota(jnp.int32, (8, D), 0).astype(jnp.float32)
            c_i = lax.broadcasted_iota(jnp.int32, (8, D), 1).astype(jnp.float32)
            t = (r_i * 128.0 + c_i) * 0.6180339887
            v0 = t - jnp.floor(t) - 0.5

            def it(_, v):
                v = lax.dot_general(
                    v, A, (((1,), (0,)), ((), ())),
                    preferred_element_type=jnp.float32,
                )
                nrm = lax.rsqrt(jnp.sum(v * v, axis=1, keepdims=True) + 1e-30)
                return v * nrm

            v = lax.fori_loop(0, 80, it, v0)
            av = lax.dot_general(
                v, A, (((1,), (0,)), ((), ())), preferred_element_type=jnp.float32
            )
            rq = jnp.sum(av * v, axis=1, keepdims=True)
            lam = jnp.max(rq)
            sinv_ref[0, 0] = lax.rsqrt(lam)

        si = sinv_ref[0, 0]
        xw = lax.dot_general(
            x_ref[...], w_ref[...], (((1,), (1,)), ((), ())),
            preferred_element_type=jnp.float32,
        )
        y_ref[...] = xw * si

    return pl.pallas_call(
        body,
        grid=(G,),
        in_specs=[
            pl.BlockSpec((R, D), lambda i: (i, 0)),
            pl.BlockSpec((D, D), lambda i: (0, 0)),
        ],
        out_specs=pl.BlockSpec((R, D), lambda i: (i, 0)),
        out_shape=jax.ShapeDtypeStruct((NP, D), jnp.float32),
        scratch_shapes=[pltpu.SMEM((1, 1), jnp.float32)],
    )(xp, W)


@functools.partial(jax.jit, static_argnums=(5, 6))
def _scatter_call(dis, y, rowp, colp, wp, EP, NP):
    D = y.shape[1]
    NCHK_ALL = EP // CH // NS
    K0 = (NCHK_ALL * SPLIT0_PCT // 100) // 4 * 4
    K1 = NCHK_ALL - K0
    S = NP // NS
    NB = 4

    @functools.partial(
        pl.kernel,
        out_type=jax.ShapeDtypeStruct((NC, NP, D), jnp.float32),
        mesh=_mesh(),
        compiler_params=_SC_PARAMS,
        scratch_types=[
            pltpu.VMEM_SHARED((NP, D), jnp.float32),
            pltpu.VMEM((NB, CH), jnp.int32),
            pltpu.VMEM((NB, CH), jnp.int32),
            pltpu.VMEM((NB, CH), jnp.float32),
            pltpu.VMEM((NB, CH, D), jnp.float32),
            pltpu.VMEM((32, D), jnp.float32),
            pltpu.VMEM((NP,), jnp.float32),
            pltpu.SemaphoreType.DMA,
            pltpu.SemaphoreType.DMA,
            pltpu.SemaphoreType.DMA,
            pltpu.SemaphoreType.DMA,
            pltpu.SemaphoreType.DMA,
            pltpu.SemaphoreType.DMA,
            pltpu.SemaphoreType.DMA,
            pltpu.SemaphoreType.DMA,
        ],
    )
    def scat(dis_hbm, y_hbm, row_hbm, col_hbm, w_hbm, out_hbm,
             acc_sh, ri_v, ci_v, w_v, rows_v, zb_v, dis_v,
             is0, is1, is2, is3, gs0, gs1, gs2, gs3):
        cid = lax.axis_index("c")
        sid = lax.axis_index("s")
        nchk = jnp.where(cid == 0, K0, K1)
        base_chunk = jnp.where(cid == 0, sid * K0, NS * K0 + sid * K1)
        base = base_chunk * CH
        isem = (is0, is1, is2, is3)
        gsem = (gs0, gs1, gs2, gs3)

        def start_idx(c, b):
            off = base + c * CH
            pltpu.async_copy(row_hbm.at[pl.ds(off, CH)], ri_v.at[b], isem[b])
            pltpu.async_copy(col_hbm.at[pl.ds(off, CH)], ci_v.at[b], isem[b])
            pltpu.async_copy(w_hbm.at[pl.ds(off, CH)], w_v.at[b], isem[b])

        def wait_idx(c, b):
            off = base + c * CH
            pltpu.make_async_copy(row_hbm.at[pl.ds(off, CH)], ri_v.at[b], isem[b]).wait()
            pltpu.make_async_copy(col_hbm.at[pl.ds(off, CH)], ci_v.at[b], isem[b]).wait()
            pltpu.make_async_copy(w_hbm.at[pl.ds(off, CH)], w_v.at[b], isem[b]).wait()

        def start_g(b):
            pltpu.async_copy(y_hbm.at[ri_v.at[b]], rows_v.at[b], gsem[b])

        def wait_g(b):
            pltpu.make_async_copy(y_hbm.at[ri_v.at[b]], rows_v.at[b], gsem[b]).wait()

        def process(b):
            for q in range(CH // L):
                rr = ri_v[b, pl.ds(q * L, L)]
                cc = ci_v[b, pl.ds(q * L, L)]
                dr = plsc.load_gather(dis_v, [rr])
                dc = plsc.load_gather(dis_v, [cc])
                w_v[b, pl.ds(q * L, L)] = w_v[b, pl.ds(q * L, L)] * dr * dc

            def scale(r, _):
                wr = plsc.load_gather(w_v.at[b], [jnp.full((L,), r, jnp.int32)])
                for j in range(D // L):
                    rows_v[b, r, pl.ds(j * L, L)] = rows_v[b, r, pl.ds(j * L, L)] * wr
                return 0

            lax.fori_loop(0, CH, scale, 0)
            pltpu.sync_copy(rows_v.at[b], acc_sh.at[ci_v.at[b]], add=True)

        for b in range(NB):
            start_idx(b, b)
        pltpu.sync_copy(dis_hbm, dis_v)

        def zr(i, _):
            for j in range(D // L):
                zb_v[i, pl.ds(j * L, L)] = jnp.zeros((L,), jnp.float32)
            return 0

        lax.fori_loop(0, 32, zr, 0)

        def zs(i, _):
            pltpu.sync_copy(zb_v, acc_sh.at[pl.ds(sid * S + i * 32, 32)])
            return 0

        lax.fori_loop(0, S // 32, zs, 0)

        wait_idx(0, 0)
        start_g(0)
        wait_idx(1, 1)
        start_g(1)
        plsc.subcore_barrier()

        def body(g, _):
            c0 = 4 * g
            for b in range(NB):
                cc = c0 + b

                @pl.when(cc + 2 < nchk)
                def _():
                    wait_idx(cc + 2, (b + 2) % NB)
                    start_g((b + 2) % NB)

                wait_g(b)
                process(b)

                @pl.when(cc + 4 < nchk)
                def _():
                    start_idx(cc + 4, b)

            return 0

        lax.fori_loop(0, nchk // 4, body, 0)
        plsc.subcore_barrier()
        pltpu.sync_copy(acc_sh.at[pl.ds(sid * S, S)], out_hbm.at[cid, pl.ds(sid * S, S)])

    return scat(dis, y, rowp, colp, wp)


def _final_call(accp, y, dis_col, b2, R):
    NP, D = y.shape
    G = NP // R

    def body(a_ref, y_ref, dis_ref, b_ref, o_ref):
        d = dis_ref[...]
        o_ref[...] = a_ref[0] + a_ref[1] + y_ref[...] * (d * d) + b_ref[...]

    return pl.pallas_call(
        body,
        grid=(G,),
        in_specs=[
            pl.BlockSpec((NC, R, D), lambda i: (0, i, 0)),
            pl.BlockSpec((R, D), lambda i: (i, 0)),
            pl.BlockSpec((R, 1), lambda i: (i, 0)),
            pl.BlockSpec((1, D), lambda i: (0, 0)),
        ],
        out_specs=pl.BlockSpec((R, D), lambda i: (i, 0)),
        out_shape=jax.ShapeDtypeStruct((NP, D), jnp.float32),
    )(accp, y, dis_col, b2)


def kernel(x, edge_index, edge_weight, W, b):
    N, _ = x.shape
    E = edge_weight.shape[0]
    D = W.shape[1]

    NP = ((N + 1 + 2047) // 2048) * 2048
    EP = ((E + 4 * NW * CH - 1) // (4 * NW * CH)) * (4 * NW * CH)
    R = 2048

    row = edge_index[0]
    col = edge_index[1]
    pad_e = EP - E
    rowp = jnp.concatenate([row, jnp.zeros((pad_e,), jnp.int32)])
    colp = jnp.concatenate([col, jnp.full((pad_e,), N, jnp.int32)])
    wp = jnp.concatenate([edge_weight, jnp.zeros((pad_e,), jnp.float32)])
    xp = jnp.concatenate([x, jnp.zeros((NP - N, D), jnp.float32)], axis=0)

    dis = _dis_call(colp, wp, EP, NP)
    dis_col = dis[:, None]
    y = _y_call(xp, W, R)
    accp = _scatter_call(dis, y, rowp, colp, wp, EP, NP)
    out = _final_call(accp, y, dis_col, b[None, :], R)
    return out[:N]

# --- scband reference (transcript-rebuilt; emitter-appended) ---
"""Pipeline reference for scband-spectral-gcnconv-33818572488735 (READ-ONLY COPY).

The authoritative reference and input builder live on the scoring server;
editing this copy changes nothing except your own understanding.
"""

import jax, jax.numpy as jnp
import numpy as np

N = 10000
E = 320000
IN_CH = 128
OUT_CH = 128


def setup_inputs(seed: int = 0) -> dict:
    key = jax.random.key(seed)
    k1, k2, k3, k4, k5 = jax.random.split(key, 5)
    x = jax.random.normal(k1, (N, IN_CH), dtype=jnp.float32)
    edge_index = jax.random.randint(k2, (2, E), 0, N, dtype=jnp.int32)
    edge_weight = jax.random.uniform(k3, (E,), dtype=jnp.float32)
    # GCNConv.lin: Linear(in_channels, out_channels, bias=False); weight shape [out, in]
    W = jax.random.normal(k4, (OUT_CH, IN_CH), dtype=jnp.float32) / np.sqrt(IN_CH)
    b = jax.random.normal(k5, (OUT_CH,), dtype=jnp.float32) * 0.01
    return {"x": x, "edge_index": edge_index, "edge_weight": edge_weight, "W": W, "b": b}


def reference(x, edge_index, edge_weight, W, b):
    # spectral_norm on lin: W_sn = W / sigma_max(W)
    sigma = jnp.linalg.svd(W, compute_uv=False)[0]
    W_sn = W / sigma
    # lin transform first (PyG GCNConv applies lin before propagation)
    xw = x @ W_sn.T  # [N, OUT_CH]
    # gcn_norm: add self loops with weight 1, symmetric normalization
    idx_dtype = edge_index.dtype
    self_loops = jnp.arange(N, dtype=idx_dtype)
    row = jnp.concatenate([edge_index[0], self_loops])  # src
    col = jnp.concatenate([edge_index[1], self_loops])  # dst
    w = jnp.concatenate([edge_weight, jnp.ones((N,), dtype=x.dtype)])
    deg = jax.ops.segment_sum(w, col, num_segments=N)
    deg_inv_sqrt = jnp.where(deg > 0, jax.lax.rsqrt(jnp.maximum(deg, 1e-12)), 0.0)
    norm = deg_inv_sqrt[row] * w * deg_inv_sqrt[col]
    # message passing: gather from src, scatter-add to dst
    msgs = norm[:, None] * xw[row]
    out = jnp.zeros((N, OUT_CH), dtype=x.dtype).at[col].add(msgs)
    return out + b

if __name__ == "__main__":
    import jax
    _d = setup_inputs()
    print(jax.jit(kernel)(*tuple(_d.values())))

</pallas_src>

<mosaic_0001>
#map = affine_map<(d0, d1) -> (0)>
module attributes {stable_mosaic.version = 14 : i64} {
  func.func @dis_kernel(%arg0: i32, %arg1: i32, %arg2: memref<327680xi32, #tpu.memory_space<hbm>>, %arg3: memref<327680xf32, #tpu.memory_space<hbm>>, %arg4: memref<10240xf32, #tpu.memory_space<hbm>>, %arg5: memref<16x10240xf32, #tpu.memory_space<vmem_shared>>, %arg6: memref<20480xi32, #tpu.memory_space<vmem>>, %arg7: memref<20480xf32, #tpu.memory_space<vmem>>, %arg8: memref<10240xf32, #tpu.memory_space<vmem>>, %arg9: memref<640xf32, #tpu.memory_space<vmem>>, %arg10: memref<640xf32, #tpu.memory_space<vmem>>) attributes {dimension_semantics = [#tpu.dimension_semantics<core_parallel>, #tpu.dimension_semantics<subcore_parallel>], iteration_bounds = array<i64: 2, 16>, scalar_prefetch = 0 : i64, scratch_operands = 6 : i64, tpu.core_type = #tpu.core_type<sc_vector_subcore>, window_params = [{transform_indices = #map}, {transform_indices = #map}, {transform_indices = #map}]} {
    %scan3A = arith.constant 0 : i32
    %scan3A_0 = arith.constant 0 : i32
    %scan3A_1 = arith.constant 640 : i32
    %scan3A_2 = arith.addi %scan3A_0, %scan3A_1 : i32
    %scan3A_3 = arith.constant 1 : i32
    %scan3A_4 = scf.for %scan3A_37 = %scan3A_0 to %scan3A_2 step %scan3A_3 iter_args(%scan3A_38 = %scan3A) -> (i32)  : i32 {
      %broadcast_in_dim3A = arith.constant 0.000000e+00 : f32
      %broadcast_in_dim3A_39 = vector.broadcast %broadcast_in_dim3A : f32 to vector<16xf32>
      %mul3A_40 = arith.constant 16 : i32
      %mul3A_41 = arith.muli %scan3A_37, %mul3A_40 : i32
      %swap3A = arith.index_cast %mul3A_41 : i32 to index
      %swap3A_42 = tpu.vector_load %arg8[%swap3A] {strides = array<i32>} : memref<10240xf32, #tpu.memory_space<vmem>>, vector<16xf32>,
      tpu.vector_store %arg8[%swap3A], %broadcast_in_dim3A_39 {strides = array<i32>} : memref<10240xf32, #tpu.memory_space<vmem>>, vector<16xf32>,
      %scan3A_43 = arith.constant 0 : i32
      scf.yield %scan3A_43 : i32
    }
    %scan3A_5 = arith.constant 640 : i32
    %mul3A = arith.constant 20480 : i32
    %mul3A_6 = arith.muli %arg1, %mul3A : i32
    "tpu.region"() ({
      %run_scoped3A = tpu.sem_alloc : memref<!tpu.dma_semaphore, #tpu.memory_space<semaphore_mem>>
      %dma_start3A = tpu.memref_slice %arg2[%mul3A_6] : memref<327680xi32, #tpu.memory_space<hbm>> -> memref<20480xi32, #tpu.memory_space<hbm>>
      %dma_start3A_37 = tpu.memref_slice %arg2[%mul3A_6] : memref<327680xi32, #tpu.memory_space<hbm>> -> memref<20480xi32, #tpu.memory_space<hbm>>
      tpu.enqueue_dma source(%dma_start3A_37 : memref<20480xi32, #tpu.memory_space<hbm>>) target(%arg6 : memref<20480xi32, #tpu.memory_space<vmem>>) target_semaphore(%run_scoped3A : memref<!tpu.dma_semaphore, #tpu.memory_space<semaphore_mem>>)
      %dma_wait3A = tpu.memref_slice %arg2[%mul3A_6] : memref<327680xi32, #tpu.memory_space<hbm>> -> memref<20480xi32, #tpu.memory_space<hbm>>
      %dma_wait3A_38 = tpu.memref_slice %arg2[%mul3A_6] : memref<327680xi32, #tpu.memory_space<hbm>> -> memref<20480xi32, #tpu.memory_space<hbm>>
      tpu.wait_dma2 semaphore(%run_scoped3A : memref<!tpu.dma_semaphore, #tpu.memory_space<semaphore_mem>>) src(%dma_wait3A_38 : memref<20480xi32, #tpu.memory_space<hbm>>) dst(%arg6 : memref<20480xi32, #tpu.memory_space<vmem>>)
      tpu.yield
    }) : () -> ()
    "tpu.region"() ({
      %run_scoped3A = tpu.sem_alloc : memref<!tpu.dma_semaphore, #tpu.memory_space<semaphore_mem>>
      %dma_start3A = tpu.memref_slice %arg3[%mul3A_6] : memref<327680xf32, #tpu.memory_space<hbm>> -> memref<20480xf32, #tpu.memory_space<hbm>>
      %dma_start3A_37 = tpu.memref_slice %arg3[%mul3A_6] : memref<327680xf32, #tpu.memory_space<hbm>> -> memref<20480xf32, #tpu.memory_space<hbm>>
      tpu.enqueue_dma source(%dma_start3A_37 : memref<20480xf32, #tpu.memory_space<hbm>>) target(%arg7 : memref<20480xf32, #tpu.memory_space<vmem>>) target_semaphore(%run_scoped3A : memref<!tpu.dma_semaphore, #tpu.memory_space<semaphore_mem>>)
      %dma_wait3A = tpu.memref_slice %arg3[%mul3A_6] : memref<327680xf32, #tpu.memory_space<hbm>> -> memref<20480xf32, #tpu.memory_space<hbm>>
      %dma_wait3A_38 = tpu.memref_slice %arg3[%mul3A_6] : memref<327680xf32, #tpu.memory_space<hbm>> -> memref<20480xf32, #tpu.memory_space<hbm>>
      tpu.wait_dma2 semaphore(%run_scoped3A : memref<!tpu.dma_semaphore, #tpu.memory_space<semaphore_mem>>) src(%dma_wait3A_38 : memref<20480xf32, #tpu.memory_space<hbm>>) dst(%arg7 : memref<20480xf32, #tpu.memory_space<vmem>>)
      tpu.yield
    }) : () -> ()
    %scan3A_7 = arith.constant 0 : i32
    %scan3A_8 = arith.constant 0 : i32
    %scan3A_9 = arith.constant 1280 : i32
    %scan3A_10 = arith.addi %scan3A_8, %scan3A_9 : i32
    %scan3A_11 = arith.constant 1 : i32
    %scan3A_12 = scf.for %scan3A_37 = %scan3A_8 to %scan3A_10 step %scan3A_11 iter_args(%scan3A_38 = %scan3A_7) -> (i32)  : i32 {
      %mul3A_39 = arith.constant 16 : i32
      %mul3A_40 = arith.muli %scan3A_37, %mul3A_39 : i32
      %get3A = arith.index_cast %mul3A_40 : i32 to index
      %get3A_41 = tpu.vector_load %arg6[%get3A] {strides = array<i32>} : memref<20480xi32, #tpu.memory_space<vmem>>, vector<16xi32>,
      %mul3A_42 = arith.constant 16 : i32
      %mul3A_43 = arith.muli %scan3A_37, %mul3A_42 : i32
      %get3A_44 = arith.index_cast %mul3A_43 : i32 to index
      %get3A_45 = tpu.vector_load %arg7[%get3A_44] {strides = array<i32>} : memref<20480xf32, #tpu.memory_space<vmem>>, vector<16xf32>,
      tpu.vector_store_idx %arg8[%get3A_41], %get3A_45 {add = true} : memref<10240xf32, #tpu.memory_space<vmem>>[vector<16xi32>], vector<16xf32>,
      %scan3A_46 = arith.constant 0 : i32
      scf.yield %scan3A_46 : i32
    }
    %scan3A_13 = arith.constant 1280 : i32
    "tpu.region"() ({
      %run_scoped3A = tpu.sem_alloc : memref<!tpu.dma_semaphore, #tpu.memory_space<semaphore_mem>>
      %dma_start3A = arith.constant 0 : i32
      %dma_start3A_37 = tpu.memref_slice %arg5[%arg1, %dma_start3A] : memref<16x10240xf32, #tpu.memory_space<vmem_shared>> -> memref<1x10240xf32, #tpu.memory_space<vmem_shared>>
      %dma_start3A_38 = tpu.memref_squeeze %dma_start3A_37 : memref<1x10240xf32, #tpu.memory_space<vmem_shared>> -> memref<10240xf32, #tpu.memory_space<vmem_shared>>
      %dma_start3A_39 = arith.constant 0 : i32
      %dma_start3A_40 = tpu.memref_slice %arg5[%arg1, %dma_start3A_39] : memref<16x10240xf32, #tpu.memory_space<vmem_shared>> -> memref<1x10240xf32, #tpu.memory_space<vmem_shared>>
      %dma_start3A_41 = tpu.memref_squeeze %dma_start3A_40 : memref<1x10240xf32, #tpu.memory_space<vmem_shared>> -> memref<10240xf32, #tpu.memory_space<vmem_shared>>
      tpu.enqueue_dma source(%arg8 : memref<10240xf32, #tpu.memory_space<vmem>>) target(%dma_start3A_41 : memref<10240xf32, #tpu.memory_space<vmem_shared>>) target_semaphore(%run_scoped3A : memref<!tpu.dma_semaphore, #tpu.memory_space<semaphore_mem>>)
      %dma_wait3A = arith.constant 0 : i32
      %dma_wait3A_42 = tpu.memref_slice %arg5[%arg1, %dma_wait3A] : memref<16x10240xf32, #tpu.memory_space<vmem_shared>> -> memref<1x10240xf32, #tpu.memory_space<vmem_shared>>
      %dma_wait3A_43 = tpu.memref_squeeze %dma_wait3A_42 : memref<1x10240xf32, #tpu.memory_space<vmem_shared>> -> memref<10240xf32, #tpu.memory_space<vmem_shared>>
      %dma_wait3A_44 = arith.constant 0 : i32
      %dma_wait3A_45 = tpu.memref_slice %arg5[%arg1, %dma_wait3A_44] : memref<16x10240xf32, #tpu.memory_space<vmem_shared>> -> memref<1x10240xf32, #tpu.memory_space<vmem_shared>>
      %dma_wait3A_46 = tpu.memref_squeeze %dma_wait3A_45 : memref<1x10240xf32, #tpu.memory_space<vmem_shared>> -> memref<10240xf32, #tpu.memory_space<vmem_shared>>
      tpu.wait_dma2 semaphore(%run_scoped3A : memref<!tpu.dma_semaphore, #tpu.memory_space<semaphore_mem>>) src(%arg8 : memref<10240xf32, #tpu.memory_space<vmem>>) dst(%dma_wait3A_46 : memref<10240xf32, #tpu.memory_space<vmem_shared>>)
      tpu.yield
    }) : () -> ()
    %barrier3A = arith.constant 0 : index
    tpu.barrier barrier_id(%barrier3A)
    %scan3A_14 = arith.constant 0 : i32
    %scan3A_15 = arith.constant 0 : i32
    %scan3A_16 = arith.constant 40 : i32
    %scan3A_17 = arith.addi %scan3A_15, %scan3A_16 : i32
    %scan3A_18 = arith.constant 1 : i32
    %scan3A_19 = scf.for %scan3A_37 = %scan3A_15 to %scan3A_17 step %scan3A_18 iter_args(%scan3A_38 = %scan3A_14) -> (i32)  : i32 {
      %broadcast_in_dim3A = arith.constant 1.000000e+00 : f32
      %broadcast_in_dim3A_39 = vector.broadcast %broadcast_in_dim3A : f32 to vector<16xf32>
      %mul3A_40 = arith.constant 16 : i32
      %mul3A_41 = arith.muli %scan3A_37, %mul3A_40 : i32
      %swap3A = arith.index_cast %mul3A_41 : i32 to index
      %swap3A_42 = tpu.vector_load %arg9[%swap3A] {strides = array<i32>} : memref<640xf32, #tpu.memory_space<vmem>>, vector<16xf32>,
      tpu.vector_store %arg9[%swap3A], %broadcast_in_dim3A_39 {strides = array<i32>} : memref<640xf32, #tpu.memory_space<vmem>>, vector<16xf32>,
      %scan3A_43 = arith.constant 0 : i32
      scf.yield %scan3A_43 : i32
    }
    %scan3A_20 = arith.constant 40 : i32
    %scan3A_21 = arith.constant 0 : i32
    %scan3A_22 = arith.constant 0 : i32
    %scan3A_23 = arith.constant 16 : i32
    %scan3A_24 = arith.addi %scan3A_22, %scan3A_23 : i32
    %scan3A_25 = arith.constant 1 : i32
    %scan3A_26 = scf.for %scan3A_37 = %scan3A_22 to %scan3A_24 step %scan3A_25 iter_args(%scan3A_38 = %scan3A_21) -> (i32)  : i32 {
      %mul3A_39 = arith.constant 640 : i32
      %mul3A_40 = arith.muli %arg1, %mul3A_39 : i32
      "tpu.region"() ({
        %run_scoped3A = tpu.sem_alloc : memref<!tpu.dma_semaphore, #tpu.memory_space<semaphore_mem>>
        %dma_start3A = tpu.memref_slice %arg5[%scan3A_37, %mul3A_40] : memref<16x10240xf32, #tpu.memory_space<vmem_shared>> -> memref<1x640xf32, #tpu.memory_space<vmem_shared>>
        %dma_start3A_49 = tpu.memref_squeeze %dma_start3A : memref<1x640xf32, #tpu.memory_space<vmem_shared>> -> memref<640xf32, #tpu.memory_space<vmem_shared>>
        %dma_start3A_50 = tpu.memref_slice %arg5[%scan3A_37, %mul3A_40] : memref<16x10240xf32, #tpu.memory_space<vmem_shared>> -> memref<1x640xf32, #tpu.memory_space<vmem_shared>>
        %dma_start3A_51 = tpu.memref_squeeze %dma_start3A_50 : memref<1x640xf32, #tpu.memory_space<vmem_shared>> -> memref<640xf32, #tpu.memory_space<vmem_shared>>
        tpu.enqueue_dma source(%dma_start3A_51 : memref<640xf32, #tpu.memory_space<vmem_shared>>) target(%arg10 : memref<640xf32, #tpu.memory_space<vmem>>) target_semaphore(%run_scoped3A : memref<!tpu.dma_semaphore, #tpu.memory_space<semaphore_mem>>)
        %dma_wait3A = tpu.memref_slice %arg5[%scan3A_37, %mul3A_40] : memref<16x10240xf32, #tpu.memory_space<vmem_shared>> -> memref<1x640xf32, #tpu.memory_space<vmem_shared>>
        %dma_wait3A_52 = tpu.memref_squeeze %dma_wait3A : memref<1x640xf32, #tpu.memory_space<vmem_shared>> -> memref<640xf32, #tpu.memory_space<vmem_shared>>
        %dma_wait3A_53 = tpu.memref_slice %arg5[%scan3A_37, %mul3A_40] : memref<16x10240xf32, #tpu.memory_space<vmem_shared>> -> memref<1x640xf32, #tpu.memory_space<vmem_shared>>
        %dma_wait3A_54 = tpu.memref_squeeze %dma_wait3A_53 : memref<1x640xf32, #tpu.memory_space<vmem_shared>> -> memref<640xf32, #tpu.memory_space<vmem_shared>>
        tpu.wait_dma2 semaphore(%run_scoped3A : memref<!tpu.dma_semaphore, #tpu.memory_space<semaphore_mem>>) src(%dma_wait3A_54 : memref<640xf32, #tpu.memory_space<vmem_shared>>) dst(%arg10 : memref<640xf32, #tpu.memory_space<vmem>>)
        tpu.yield
      }) : () -> ()
      %scan3A_41 = arith.constant 0 : i32
      %scan3A_42 = arith.constant 0 : i32
      %scan3A_43 = arith.constant 40 : i32
      %scan3A_44 = arith.addi %scan3A_42, %scan3A_43 : i32
      %scan3A_45 = arith.constant 1 : i32
      %scan3A_46 = scf.for %scan3A_49 = %scan3A_42 to %scan3A_44 step %scan3A_45 iter_args(%scan3A_50 = %scan3A_41) -> (i32)  : i32 {
        %mul3A_51 = arith.constant 16 : i32
        %mul3A_52 = arith.muli %scan3A_49, %mul3A_51 : i32
        %get3A = arith.index_cast %mul3A_52 : i32 to index
        %get3A_53 = tpu.vector_load %arg9[%get3A] {strides = array<i32>} : memref<640xf32, #tpu.memory_space<vmem>>, vector<16xf32>,
        %mul3A_54 = arith.constant 16 : i32
        %mul3A_55 = arith.muli %scan3A_49, %mul3A_54 : i32
        %get3A_56 = arith.index_cast %mul3A_55 : i32 to index
        %get3A_57 = tpu.vector_load %arg10[%get3A_56] {strides = array<i32>} : memref<640xf32, #tpu.memory_space<vmem>>, vector<16xf32>,
        %add3A = arith.addf %get3A_53, %get3A_57 : vector<16xf32>
        %mul3A_58 = arith.constant 16 : i32
        %mul3A_59 = arith.muli %scan3A_49, %mul3A_58 : i32
        %swap3A = arith.index_cast %mul3A_59 : i32 to index
        %swap3A_60 = tpu.vector_load %arg9[%swap3A] {strides = array<i32>} : memref<640xf32, #tpu.memory_space<vmem>>, vector<16xf32>,
        tpu.vector_store %arg9[%swap3A], %add3A {strides = array<i32>} : memref<640xf32, #tpu.memory_space<vmem>>, vector<16xf32>,
        %scan3A_61 = arith.constant 0 : i32
        scf.yield %scan3A_61 : i32
      }
      %scan3A_47 = arith.constant 40 : i32
      %scan3A_48 = arith.constant 0 : i32
      scf.yield %scan3A_48 : i32
    }
    %scan3A_27 = arith.constant 16 : i32
    %scan3A_28 = arith.constant 0 : i32
    %scan3A_29 = arith.constant 0 : i32
    %scan3A_30 = arith.constant 40 : i32
    %scan3A_31 = arith.addi %scan3A_29, %scan3A_30 : i32
    %scan3A_32 = arith.constant 1 : i32
    %scan3A_33 = scf.for %scan3A_37 = %scan3A_29 to %scan3A_31 step %scan3A_32 iter_args(%scan3A_38 = %scan3A_28) -> (i32)  : i32 {
      %mul3A_39 = arith.constant 16 : i32
      %mul3A_40 = arith.muli %scan3A_37, %mul3A_39 : i32
      %get3A = arith.index_cast %mul3A_40 : i32 to index
      %get3A_41 = tpu.vector_load %arg9[%get3A] {strides = array<i32>} : memref<640xf32, #tpu.memory_space<vmem>>, vector<16xf32>,
      %bitcast3A = vector.bitcast %get3A_41 : vector<16xf32> to vector<16xi32>
      %shift_right_arithmetic3A = arith.constant 1 : i32
      %shift_right_arithmetic3A_42 = vector.broadcast %shift_right_arithmetic3A : i32 to vector<16xi32>
      %shift_right_arithmetic3A_43 = arith.shrsi %bitcast3A, %shift_right_arithmetic3A_42 : vector<16xi32>
      %sub3A = arith.constant 1597463007 : i32
      %sub3A_44 = vector.broadcast %sub3A : i32 to vector<16xi32>
      %sub3A_45 = arith.subi %sub3A_44, %shift_right_arithmetic3A_43 : vector<16xi32>
      %bitcast3A_46 = vector.bitcast %sub3A_45 : vector<16xi32> to vector<16xf32>
      %mul3A_47 = arith.constant 5.000000e-01 : f32
      %mul3A_48 = vector.broadcast %mul3A_47 : f32 to vector<16xf32>
      %mul3A_49 = arith.mulf %get3A_41, %mul3A_48 : vector<16xf32>
      %mul3A_50 = arith.mulf %mul3A_49, %bitcast3A_46 : vector<16xf32>
      %mul3A_51 = arith.mulf %mul3A_50, %bitcast3A_46 : vector<16xf32>
      %sub3A_52 = arith.constant 1.500000e+00 : f32
      %sub3A_53 = vector.broadcast %sub3A_52 : f32 to vector<16xf32>
      %sub3A_54 = arith.subf %sub3A_53, %mul3A_51 : vector<16xf32>
      %mul3A_55 = arith.mulf %bitcast3A_46, %sub3A_54 : vector<16xf32>
      %mul3A_56 = arith.mulf %mul3A_49, %mul3A_55 : vector<16xf32>
      %mul3A_57 = arith.mulf %mul3A_56, %mul3A_55 : vector<16xf32>
      %sub3A_58 = arith.constant 1.500000e+00 : f32
      %sub3A_59 = vector.broadcast %sub3A_58 : f32 to vector<16xf32>
      %sub3A_60 = arith.subf %sub3A_59, %mul3A_57 : vector<16xf32>
      %mul3A_61 = arith.mulf %mul3A_55, %sub3A_60 : vector<16xf32>
      %mul3A_62 = arith.mulf %mul3A_49, %mul3A_61 : vector<16xf32>
      %mul3A_63 = arith.mulf %mul3A_62, %mul3A_61 : vector<16xf32>
      %sub3A_64 = arith.constant 1.500000e+00 : f32
      %sub3A_65 = vector.broadcast %sub3A_64 : f32 to vector<16xf32>
      %sub3A_66 = arith.subf %sub3A_65, %mul3A_63 : vector<16xf32>
      %mul3A_67 = arith.mulf %mul3A_61, %sub3A_66 : vector<16xf32>
      %mul3A_68 = arith.constant 16 : i32
      %mul3A_69 = arith.muli %scan3A_37, %mul3A_68 : i32
      %swap3A = arith.index_cast %mul3A_69 : i32 to index
      %swap3A_70 = tpu.vector_load %arg9[%swap3A] {strides = array<i32>} : memref<640xf32, #tpu.memory_space<vmem>>, vector<16xf32>,
      tpu.vector_store %arg9[%swap3A], %mul3A_67 {strides = array<i32>} : memref<640xf32, #tpu.memory_space<vmem>>, vector<16xf32>,
      %scan3A_71 = arith.constant 0 : i32
      scf.yield %scan3A_71 : i32
    }
    %scan3A_34 = arith.constant 40 : i32
    %eq3A = arith.constant 0 : i32
    %eq3A_35 = arith.cmpi eq, %arg0, %eq3A : i32
    %convert_element_type3A = arith.extui %eq3A_35 : i1 to i32
    %cond3A = arith.constant 0 : i32
    %cond3A_36 = arith.cmpi ne, %convert_element_type3A, %cond3A : i32
    scf.if %cond3A_36 {
      %mul3A_37 = arith.constant 640 : i32
      %mul3A_38 = arith.muli %arg1, %mul3A_37 : i32
      "tpu.region"() ({
        %run_scoped3A = tpu.sem_alloc : memref<!tpu.dma_semaphore, #tpu.memory_space<semaphore_mem>>
        %dma_start3A = tpu.memref_slice %arg4[%mul3A_38] : memref<10240xf32, #tpu.memory_space<hbm>> -> memref<640xf32, #tpu.memory_space<hbm>>
        %dma_start3A_39 = tpu.memref_slice %arg4[%mul3A_38] : memref<10240xf32, #tpu.memory_space<hbm>> -> memref<640xf32, #tpu.memory_space<hbm>>
        tpu.enqueue_dma source(%arg9 : memref<640xf32, #tpu.memory_space<vmem>>) target(%dma_start3A_39 : memref<640xf32, #tpu.memory_space<hbm>>) target_semaphore(%run_scoped3A : memref<!tpu.dma_semaphore, #tpu.memory_space<semaphore_mem>>)
        %dma_wait3A = tpu.memref_slice %arg4[%mul3A_38] : memref<10240xf32, #tpu.memory_space<hbm>> -> memref<640xf32, #tpu.memory_space<hbm>>
        %dma_wait3A_40 = tpu.memref_slice %arg4[%mul3A_38] : memref<10240xf32, #tpu.memory_space<hbm>> -> memref<640xf32, #tpu.memory_space<hbm>>
        tpu.wait_dma2 semaphore(%run_scoped3A : memref<!tpu.dma_semaphore, #tpu.memory_space<semaphore_mem>>) src(%arg9 : memref<640xf32, #tpu.memory_space<vmem>>) dst(%dma_wait3A_40 : memref<640xf32, #tpu.memory_space<hbm>>)
        tpu.yield
      }) : () -> ()
    } else {
    }
    return
  }
}

</mosaic_0001>

<sc_bundles>
// kernel: _dis_call.3.cloned.1.call-start
scs
__scs_entry_jumppad:
0x0: {  	(pc) =	sbr.rel $0x88, $3  }
0x1: {  	(tag) =	ssettag $0x0;
	lr =	simm.s32 $0x1  }
0x2: {  	[smem:$0x3F9F] =	sst lr;
	_ =	strace $0xD0000000  }
0x3: {  	_ = 	snop  }
0x4: {  	_ = 	snop  }
0x5: {  	_ = 	snop  }
0x6: {  	_ = 	snop  }
0x7: {  	_ = 	snop  }
__scs_overlays_trampoline_lowered:
0x8: {  	[smem:$0x3FAE] =	sst s0  }
0x9: {  	[smem:$0x3FAF] =	sst s1  }
0xa: {  	[smem:$0x3FB0] =	sst s2  }
0xb: {  	[smem:$0x3FB1] =	sst s3  }
0xc: {  	[smem:$0x3FB2] =	sst s4  }
0xd: {  	[smem:$0x3FB3] =	sst s5  }
0xe: {  	[smem:$0x3FB4] =	sst s6  }
0xf: {  	[smem:$0x3FB5] =	sst s7  }
0x10: {  	[smem:$0x3FB6] =	sst s8  }
0x11: {  	[smem:$0x3FB7] =	sst s9;
	s0 =	simm.s32 @!p0 $0x0  }
0x12: {  	s1 =	sld [smem:$0x3F9D];
	s0 =	simm.s32 @p0 $0x1  }
0x13: {  	[smem:$0x3FB8] =	sst s0;
	s0 =	simm.s32 @!p1 $0x0  }
0x14: {  	s2 =	sld [smem:$0x3F9C];
	s0 =	simm.s32 @p1 $0x1  }
0x15: {  	[smem:$0x3FB9] =	sst s0;
	s0 =	simm.s32 @!p2 $0x0  }
0x16: {  	s3 =	sld [smem:$0x3FDB];
	s0 =	simm.s32 @p2 $0x1  }
0x17: {  	s4 =	simm.s32 $0x1BF5;
	[smem:$0x3FBB] =	sst s0  }
0x18: {  	s0 =	sld [smem:$0x3F9E];
	_ =	swait.ge [sflag:s4], $0x0  }
0x19: {  	s7 =	sld [smem:$0x3F9F]  }
0x1a: {  	s8 =	sadd.s32 $0xFFFFE003, lr  }
0x1b: {  	s9 =	sadd.s32 $0xFFFFFEF7, lr;
	s5 =	simm.s32 $0xFFFFFFFF;
	p2 =	slt.u32 s8, $0xFFFFF086  }
0x1c: {  	p1 =	slt.u32 s9, $0xF7A;
	s5 =	simm.s32 @!p2 $0x0  }
0x1d: {  	s5 =	simm.s32 @p1 $0x1;
	p0 =	seq.s32 s7, s2  }
0x1e: {  	s7 =	smul.u32 @!p0 $0xF7A, s2;
	p2 =	seq.s32 @!p0 s5, $0x0  }
0x1f: {  	s9 =	smul.u32 $0xF7A, s1;
	s8 =	simm.s32 @!p0 $0x1BF5;
	p2 =	por !p2, p0  }
0x20: {  	[sflag:s8] =	ssyncset.s32 @!p0 $0xFFFFF086;
	s6 =	sadd.s32 @!p0 s3, s7;
	s7 =	simm.s32 @!p0 $0x108  }
0x21: {  	s3 =	sadd.s32 s3, s9;
	s6 =	sadd.s32 @!p0 $0x88, s6;
	s7 =	simm.s32 @p2 $0x1082  }
0x22: {  	[simem:s7], [sflag:s8] =	dma.local @!p0 [hbm:s6], $0xF7A  }
0x23: {  	s9 =	sor.u32 $0xD0000000, s2;
	s6 =	simm.s32 $0x108;
	_ =	swait.ge @!p0 [sflag:s8], $0x0  }
0x24: {  	s3 =	sadd.s32 $0x88, s3;
	s6 =	simm.s32 @!p1 $0x1082;
	[sflag:s4] =	ssyncset.s32 $0xFFFFF086  }
0x25: {  	[simem:s6], [sflag:s4] =	dma.local [hbm:s3], $0xF7A  }
0x26: {  	[smem:$0x3F9F] =	sst s1;
	(tag) =	ssettag s2;
	_ =	strace s9  }
0x27: {  	s1 =	sld [smem:$0x3FAF]  }
0x28: {  	s2 =	sld [smem:$0x3FB0]  }
0x29: {  	s4 =	sld [smem:$0x3FB2]  }
0x2a: {  	p0 =	seq.s32 s5, $0x0;
	s5 =	sld [smem:$0x3FB3]  }
0x2b: {  	s6 =	sld [smem:$0x3FB4]  }
0x2c: {  	s7 =	sld [smem:$0x3FB5]  }
0x2d: {  	s3 =	simm.s32 $0x108;
	s8 =	sld [smem:$0x3FB6]  }
0x2e: {  	s3 =	simm.s32 @!p0 $0x1082;
	s9 =	sld [smem:$0x3FB7]  }
0x2f: {  	lr =	sadd.s32 s0, s3;
	s0 =	sld [smem:$0x3FAE]  }
0x30: {  	s3 =	sld [smem:$0x3FB1]  }
0x31: {  	[smem:$0x3FBA] =	sst s10  }
0x32: {  	s10 =	sld [smem:$0x3FB8];
	_ =	sdelay $0x3  }
0x33: {  	p0 =	seq.s32 s10, $0x1;
	s10 =	sld [smem:$0x3FBA];
	_ =	sdelay $0x3  }
0x34: {  	[smem:$0x3FBA] =	sst s10  }
0x35: {  	s10 =	sld [smem:$0x3FB9];
	_ =	sdelay $0x3  }
0x36: {  	p1 =	seq.s32 s10, $0x1;
	s10 =	sld [smem:$0x3FBA];
	_ =	sdelay $0x3  }
0x37: {  	[smem:$0x3FBA] =	sst s10  }
0x38: {  	s10 =	sld [smem:$0x3FBB]  }
0x39: {  	_ = 	snop;
	(pc) =	sbr.ind lr, $3  }
0x3a: {  	_ = 	snop  }
0x3b: {  	_ = 	snop  }
0x3c: {  	p2 =	seq.s32 s10, $0x1;
	s10 =	sld [smem:$0x3FBA]  }
0x3d: {  	_ =	shalt  }
0x3e: {  	_ =	shalt  }
0x3f: {  	_ =	shalt  }
0x40: {  	_ =	shalt  }
0x41: {  	_ =	shalt  }
0x42: {  	_ =	shalt  }
0x43: {  	_ =	shalt  }
0x44: {  	_ =	shalt  }
0x45: {  	_ =	shalt  }
0x46: {  	_ =	shalt  }
0x47: {  	_ =	shalt  }
0x48: {  	_ =	shalt  }
0x49: {  	_ =	shalt  }
0x4a: {  	_ =	shalt  }
0x4b: {  	_ =	shalt  }
0x4c: {  	_ =	shalt  }
0x4d: {  	_ =	shalt  }
0x4e: {  	_ =	shalt  }
0x4f: {  	_ =	shalt  }
0x50: {  	_ =	shalt  }
0x51: {  	_ =	shalt  }
0x52: {  	_ =	shalt  }
0x53: {  	_ =	shalt  }
0x54: {  	_ =	shalt  }
0x55: {  	_ =	shalt  }
0x56: {  	_ =	shalt  }
0x57: {  	_ =	shalt  }
0x58: {  	_ =	shalt  }
0x59: {  	_ =	shalt  }
0x5a: {  	_ =	shalt  }
0x5b: {  	_ =	shalt  }
0x5c: {  	_ =	shalt  }
0x5d: {  	_ =	shalt  }
0x5e: {  	_ =	shalt  }
0x5f: {  	_ =	shalt  }
0x60: {  	_ =	shalt  }
0x61: {  	_ =	shalt  }
0x62: {  	_ =	shalt  }
0x63: {  	_ =	shalt  }
0x64: {  	_ =	shalt  }
0x65: {  	_ =	shalt  }
0x66: {  	_ =	shalt  }
0x67: {  	_ =	shalt  }
0x68: {  	_ =	shalt  }
0x69: {  	_ =	shalt  }
0x6a: {  	_ =	shalt  }
0x6b: {  	_ =	shalt  }
0x6c: {  	_ =	shalt  }
0x6d: {  	_ =	shalt  }
0x6e: {  	_ =	shalt  }
0x6f: {  	_ =	shalt  }
0x70: {  	_ =	shalt  }
0x71: {  	_ =	shalt  }
0x72: {  	_ =	shalt  }
0x73: {  	_ =	shalt  }
0x74: {  	_ =	shalt  }
0x75: {  	_ =	shalt  }
0x76: {  	_ =	shalt  }
0x77: {  	_ =	shalt  }
0x78: {  	_ =	shalt  }
0x79: {  	_ =	shalt  }
0x7a: {  	_ =	shalt  }
0x7b: {  	_ =	shalt  }
0x7c: {  	_ =	shalt  }
0x7d: {  	_ =	shalt  }
0x7e: {  	_ =	shalt  }
0x7f: {  	_ =	shalt  }
0x80: {  	_ =	shalt  }
0x81: {  	_ =	shalt  }
0x82: {  	_ =	shalt  }
0x83: {  	_ =	shalt  }
0x84: {  	_ =	shalt  }
0x85: {  	_ =	shalt  }
0x86: {  	_ =	shalt  }
0x87: {  	_ =	shalt  }
.Lfunc_end0:
.L_simem_size_0:
called_computation_lowered:
.L_overlay_start_0:
0x88: {  	s2 =	sld [smem:$0x3FD9]  }
0x89: {  	s3 =	sld [smem:$0x3FFE];
	_ =	sdelay $0x1  }
0x8a: {  	s1 =	srdreg.scid  }
0x8b: {  	s0 =	sand.u32 $0x1, s1  }
0x8c: {  	s18 =	sshll.u32 s0, $0xA;
	s2 =	sadd.s32 s3, s2  }
0x8d: {  	s2 =	sadd.s32 s2, s18  }
0x8e: {  	[smem:$0x3FC6] =	sst s2  }
0x8f: {  	_ = 	snop  }
0x90: {  	s2 =	sld [smem:$0x3FC9]  }
0x91: {  	s19 =	sld [smem:$0x3FC8]  }
0x92: {  	s4 =	sld [smem:$0x3FD0];
	(tm) =	ssettm $0x1  }
0x93: {  	s5 =	sld [smem:$0x3FFB];
	_ =	sdelay $0x3  }
0x94: {  	_ =	strace s5  }
0x95: {  	s5 =	sld [smem:$0x3FFC];
	_ =	sdelay $0x3  }
0x96: {  	_ =	strace s5  }
0x97: {  	s5 =	sld [smem:$0x3FFD];
	_ =	sdelay $0x3  }
0x98: {  	_ =	strace s5  }
0x99: {  	_ =	strace $0x8FFFFFFF  }
0x9a: {  	s20 =	sld [smem:$0x3FDB];
	_ =	sdelay $0x1  }
0x9b: {  	s6 =	simm.s32 $_scs_section_size  }
0x9c: {  	s7 =	simm.s32 $_size__tile_overlayer_lowered;
	s8 =	simm.s32 $_tile_overlayer_lowered  }
0x9d: {  	s23 =	simm.s32 $0x1BFF;
	s22 =	sshll.u32 s8, $0x1;
	s5 =	sadd.s32 s6, s20  }
0x9e: {  	s9 =	simm.s32 $0x0;
	s21 =	sshll.u32 s7, $0x1;
	s7 =	sadd.s32 s22, s5  }
0x9f: {  	[timem:s9], [sflag:s23] =	dma.local [hbm:s7], s21  }
0xa0: {  	_ =	swait.ge [sflag:s23], s21  }
0xa1: {  	s6 =	ssub.s32 $0x0, s21;
	[sflag:s23] =	ssyncset.done $0x0  }
0xa2: {  	[sflag:s23] =	ssyncadd.s32 s6;
	_ =	sdelay $0x1  }
0xa3: {  	s24 =	simm.s32 $0x1B8B  }
0xa4: {  	_ =	swait.ge [sflag:s24], $0x1  }
0xa5: {  	[sflag:s24] =	ssyncset.done $0x0  }
0xa6: {  	s25 =	simm.s32 $0x1B8E;
	[sflag:s24] =	ssyncadd.s32 $0xFFFFFFFF  }
0xa7: {  	s26 =	simm.s32 $execute0_lowered;
	[smem:$0x3FD2] =	sst s25  }
0xa8: {  	s6 =	sshll.u32 s26, $0x1;
	_ =	strace $0x80000046;
	[dreg:$0x1] =	wrdreg $0xFFFFFFFF  }
0xa9: {  	s28 =	simm.s32 $_size_execute0_lowered;
	s5 =	sadd.s32 s5, s6;
	[dreg:$0x0] =	wrdreg $0x0  }
0xaa: {  	s6 =	sshll.u32 s28, $0x1;
	[dreg:$0x2] =	wrdreg s5  }
0xab: {  	[dreg:$0x3] =	wrdreg s6  }
0xac: {  	[dreg:$0x4] =	wrdreg $0xC0  }
0xad: {  	_ =	task [dreg:s9], $0x5FFFF  }
0xae: {  	[dreg:$0x1] =	wrdreg $0xFFFFFFFF  }
0xaf: {  	[dreg:$0x0] =	wrdreg $0x60  }
0xb0: {  	[dreg:$0x2] =	wrdreg s2  }
0xb1: {  	[dreg:$0x3] =	wrdreg s19  }
0xb2: {  	[dreg:$0x4] =	wrdreg s4  }
0xb3: {  	[dreg:$0x5] =	wrdreg $0x0  }
0xb4: {  	[dreg:$0x6] =	wrdreg $0x9  }
0xb5: {  	_ =	task.clear_ibuf [dreg:s9], $0x7FFFF;
	_ =	strace $0x90000046  }
0xb6: {  	s29 =	simm.s32 $0x9;
	_ =	strace $0x80000048  }
0xb7: {  	_ =	swait.ge [sflag:s29], $0x1  }
0xb8: {  	[sflag:s29] =	ssyncadd.s32 $0xFFFFFFFF  }
0xb9: {  	_ =	strace $0x90000048  }
0xba: {  	_ =	sfence  }
0xbb: {  	s30 =	sld [smem:$0x0];
	_ =	sdelay $0x2  }
0xbc: {  	s31 =	sshll.u32 s1, $0xD;
	s1 =	sshrl.u32 s1, $0x2  }
0xbd: {  	s3 =	sand.u32 $0x4000, s31;
	s1 =	sadd.s32 s1, s30  }
0xbe: {  	s0 =	sor.u32 s3, s0;
	s1 =	sshll.u32 s1, $0x11  }
0xbf: {  	s0 =	sor.u32 s1, s0  }
0xc0: {  	s0 =	sadd.s32 $0x8F2B, s0  }
0xc1: {  	[sflag:s0] =	ssyncadd.remote.s32 $0x1  }
0xc2: {  	_ =	sfence.sel $0xFFFF  }
0xc3: {  	[dreg:$0x0] =	wrdreg $0xFFFFFFFF;
	(pc) =	sbr.abs _section_cstart, $3  }
0xc4: {  	[dreg:$0x1] =	wrdreg $0xFFFFFFFF  }
0xc5: {  	_ =	task.clear_ibuf [dreg:s9], $0x2FFFF;
	_ =	strace $0x9FFFFFFF  }
0xc6: {  	(tm) =	ssettm $0x7FFFFFFF  }
0xc7: {  	_ =	shalt  }
tec
execute0_lowered:
.L_overlay_start_1:
0x0: {  	(tag) =	ssettag $0x1  }
0x1: {  	s3 =	rddreg [dreg:$0x0]  }
0x2: {  	s4 =	rddreg [dreg:$0x1]  }
0x3: {  	s7 =	rddreg [dreg:$0x2]  }
0x4: {  	s6 =	rddreg [dreg:$0x3];
	s1 =	srdreg.scid  }
0x5: {  	s0 =	rddreg [dreg:$0x4];
	s2 =	simm.s32 $0x0;
	s12 =	simm.s32 $0xC800  }
0x6: {  	s13 =	simm.s32 $0x80;
	s14 =	simm.s32 $0x400;
	s15 =	simm.s32 $0xF280  }
0x7: {  	s16 =	sand.u32 $0x1, s1;
	[smem:$0x7FF] =	sst s2;
	s1 =	stileid.u32  }
0x8: {  	s5 =	ssub.s32 $0x2, s16;
	s9 =	smul.u32 $0xA00, s1;
	s10 =	sshrl.u32 s1, $0x3  }
0x9: {  	_ =	strace $0x80000047;
	s30 =	smul.u32 $0x5000, s1;
	s31 =	sshll.u32 s1, $0x7  }
0xa: {  	s11 =	smul.u32 $0x50, s1;
	p0 =	sne.s32 s16, $0x0;
	s8 =	sshrl.u32 s5, $0x1  }
0xb: {  	s29 =	smul.u32 $0x50000, s10;
	s10 =	sand.u32 $0x380, s31;
	s8 =	ssub.s32 s5, s8  }
0xc: {  	s3 =	sadd.s32 s3, s9;
	s4 =	sadd.s32 s4, s9;
	s9 =	sshrl.u32 s30, $0x2  }
0xd: {  	s7 =	sadd.s32 s7, s11;
	s11 =	simm.s32 $0x7800;
	s5 =	sshrl.u32 s29, $0x2  }
0xe: {  	s8 =	smax.u32 s8, $0x1;
	s5 =	sadd.s32 s5, s6;
	s6 =	sadd.s32 s9, s6  }
0xf: {  	v0 =	vimm.f32 $0.0e+00;
	v1 =	vimm.f32 $1.000000000e+00;
	s9 =	simm.s32 $0x2800;
	s5 =	sadd.s32 s10, s5;
	s10 =	simm.s32 $0x1  }
.LBB2_1:
0x10: {  	s16 =	simm.s32 $0x40;
	s17 =	simm.s32 $0x0  }
.LBB2_2:
0x11: {  	p1 =	sne.s32 s16, $0x9FC0;
	[tilespmem:s17+$0xC800] =	vst v0;
	s17 =	smov.u32 s16;
	s16 =	sadd.s32 $0x40, s16  }
.Ltmp0:
0x12: {  	(pc) =	sbr.rel @p1 .LBB2_2-.Ltmp0, $2  }
0x13: {  	_ =	sdelay $0x2  }
0x14: {  	s17 =	sshra.s32 s17, $0x2  }
0x15: {  	[tilespmem:s17+$0xC800] =	vst v0;
	s16 =	simm.s32 $0x0  }
0x16: {  	[tilespmem:s9], [sflag:$0x1] =	stream.linear.gather [hbm4b:s3+s16], $0x5000, $0x38;
	[tilespmem:$0xF500] =	vst v63  }
0x17: {  	_ =	swait.ge [sflag:s10], $0x5000  }
0x18: {  	[sflag:s10] =	ssyncset.done $0x0  }
0x19: {  	[sflag:s10] =	ssyncadd.s32 $0xFFFFB000  }
0x1a: {  	[tilespmem:s11], [sflag:$0x1] =	stream.linear.gather [hbm4b:s4+s16], $0x5000, $0x38;
	[tilespmem:$0xF500] =	vst v63  }
0x1b: {  	_ =	swait.ge [sflag:s10], $0x5000  }
0x1c: {  	[sflag:s10] =	ssyncset.done $0x0  }
0x1d: {  	s17 =	simm.s32 $0x0;
	s16 =	simm.s32 $0x40;
	[sflag:s10] =	ssyncadd.s32 $0xFFFFB000  }
.LBB2_4:
0x1e: {  	p1 =	sne.s32 s16, $0x13FC0;
	v2 =	vld [tilespmem:s17+$0x2800];
	_ =	sdelay $0x2  }
0x1f: {  	v3 =	vld [tilespmem:s17+$0x7800]  }
.Ltmp1:
0x20: {  	(pc) =	sbr.rel @p1 .LBB2_4-.Ltmp1, $2  }
0x21: {  	_ =	sdelay $0x2  }
0x22: {  	s17 =	sshra.s32 s16, $0x2;
	s16 =	sadd.s32 $0x40, s16;
	[tilespmem:v2+s12+$0x0] =	vst.idx.add.f32.msk $0xffff, v3  }
0x23: {  	v2 =	vld [tilespmem:s17+$0x2800];
	_ =	sdelay $0x2  }
0x24: {  	v3 =	vld [tilespmem:s17+$0x7800];
	_ =	sdelay $0x4  }
0x25: {  	[tilespmem:v2+s12+$0x0] =	vst.idx.add.f32.msk $0xffff, v3  }
0x26: {  	[spmem:s5] =	stream.strided.scatter [tilespmem:s12], [sflag:$0x1], $0x2800, s14, s13, $0x38;
	[tilespmem:$0xF500] =	vst v63  }
0x27: {  	_ =	swait.ge [sflag:s10], $0x2800  }
0x28: {  	[sflag:s10] =	ssyncset.done $0x0  }
0x29: {  	[sflag:s10] =	ssyncadd.s32 $0xFFFFD800  }
0x2a: {  	[bflag:$0x0] =	sbarrier.arrive $0xFFFF  }
0x2b: {  	[tilespmem:$0xF000] =	vst v1  }
0x2c: {  	[tilespmem:$0xF010] =	vst v1  }
0x2d: {  	[tilespmem:$0xF020] =	vst v1  }
0x2e: {  	[tilespmem:$0xF030] =	vst v1  }
0x2f: {  	[tilespmem:$0xF040] =	vst v1  }
0x30: {  	[tilespmem:$0xF050] =	vst v1  }
0x31: {  	[tilespmem:$0xF060] =	vst v1  }
0x32: {  	[tilespmem:$0xF070] =	vst v1  }
0x33: {  	[tilespmem:$0xF080] =	vst v1  }
0x34: {  	[tilespmem:$0xF090] =	vst v1  }
0x35: {  	[tilespmem:$0xF0A0] =	vst v1  }
0x36: {  	[tilespmem:$0xF0B0] =	vst v1  }
0x37: {  	[tilespmem:$0xF0C0] =	vst v1  }
0x38: {  	[tilespmem:$0xF0D0] =	vst v1  }
0x39: {  	[tilespmem:$0xF0E0] =	vst v1  }
0x3a: {  	[tilespmem:$0xF0F0] =	vst v1  }
0x3b: {  	[tilespmem:$0xF100] =	vst v1  }
0x3c: {  	[tilespmem:$0xF110] =	vst v1  }
0x3d: {  	[tilespmem:$0xF120] =	vst v1  }
0x3e: {  	[tilespmem:$0xF130] =	vst v1  }
0x3f: {  	[tilespmem:$0xF140] =	vst v1  }
0x40: {  	[tilespmem:$0xF150] =	vst v1  }
0x41: {  	[tilespmem:$0xF160] =	vst v1  }
0x42: {  	[tilespmem:$0xF170] =	vst v1  }
0x43: {  	[tilespmem:$0xF180] =	vst v1  }
0x44: {  	[tilespmem:$0xF190] =	vst v1  }
0x45: {  	[tilespmem:$0xF1A0] =	vst v1  }
0x46: {  	[tilespmem:$0xF1B0] =	vst v1  }
0x47: {  	[tilespmem:$0xF1C0] =	vst v1  }
0x48: {  	[tilespmem:$0xF1D0] =	vst v1  }
0x49: {  	[tilespmem:$0xF1E0] =	vst v1  }
0x4a: {  	[tilespmem:$0xF1F0] =	vst v1  }
0x4b: {  	[tilespmem:$0xF200] =	vst v1  }
0x4c: {  	[tilespmem:$0xF210] =	vst v1  }
0x4d: {  	[tilespmem:$0xF220] =	vst v1  }
0x4e: {  	[tilespmem:$0xF230] =	vst v1  }
0x4f: {  	[tilespmem:$0xF240] =	vst v1  }
0x50: {  	[tilespmem:$0xF250] =	vst v1  }
0x51: {  	[tilespmem:$0xF260] =	vst v1  }
0x52: {  	s16 =	simm.s32 $0x0;
	[tilespmem:$0xF270] =	vst v1  }
.LBB2_6:
0x53: {  	s17 =	sshrl.u32 s16, $0x3  }
0x54: {  	s17 =	smul.u32 $0x50000, s17;
	_ =	sdelay $0x1  }
0x55: {  	s18 =	sshll.u32 s16, $0x7;
	s17 =	sshra.s32 s17, $0x2  }
0x56: {  	s18 =	sand.u32 $0x380, s18;
	s17 =	sadd.s32 s17, s6  }
0x57: {  	s17 =	sadd.s32 s18, s17  }
0x58: {  	[tilespmem:s15], [sflag:$0x1] =	stream.strided.gather [spmem:s17], $0x280, s14, s13, $0x38;
	[tilespmem:$0xF500] =	vst v63  }
0x59: {  	_ =	swait.ge [sflag:s10], $0x280  }
0x5a: {  	[sflag:s10] =	ssyncset.done $0x0  }
0x5b: {  	s17 =	simm.s32 $0x0;
	[sflag:s10] =	ssyncadd.s32 $0xFFFFFD80  }
0x5c: {  	s18 =	simm.s32 $0x40;
	v2 =	vld [tilespmem:s17+$0xF280]  }
.LBB2_7:
0x5d: {  	p1 =	sne.s32 s18, $0x9C0;
	v3 =	vld [tilespmem:s17+$0xF000];
	_ =	sdelay $0x2  }
.Ltmp2:
0x5e: {  	(pc) =	sbr.rel @p1 .LBB2_7-.Ltmp2, $4  }
0x5f: {  	_ = 	snop  }
0x60: {  	v3 =	vadd.f32 v2, v3  }
0x61: {  	s19 =	sshra.s32 s18, $0x2  }
0x62: {  	s18 =	sadd.s32 $0x40, s18;
	v2 =	vld [tilespmem:s19+$0xF280];
	[tilespmem:s17+$0xF000] =	vst v3;
	s17 =	smov.u32 s19  }
0x63: {  	v3 =	vld [tilespmem:s17+$0xF000]  }
0x64: {  	s16 =	sadd.s32 $0x1, s16  }
0x65: {  	p1 =	sne.s32 s16, $0x10  }
.Ltmp3:
0x66: {  	_ = 	snop;
	(pc) =	sbr.rel @p1 .LBB2_6-.Ltmp3, $3  }
0x67: {  	_ = 	snop  }
0x68: {  	v2 =	vadd.f32 v2, v3;
	_ =	sdelay $0x1  }
0x69: {  	[tilespmem:s17+$0xF000] =	vst v2  }
0x6a: {  	s16 =	simm.s32 $0x0;
	s17 =	simm.s32 $0x40  }
.LBB2_10:
0x6b: {  	p1 =	sne.s32 s17, $0x9C0;
	v2 =	vld [tilespmem:s16+$0xF000];
	_ =	sdelay $0x4  }
0x6c: {  	v3 =	vshra.s32 v2, $0x1;
	v2 =	vmul.f32 $5.000000000e-01, v2  }
0x6d: {  	v3 =	vsub.s32 $0x5F3759DF, v3  }
0x6e: {  	v4 =	vmul.f32 v3, v2;
	_ =	sdelay $0x1  }
0x6f: {  	v4 =	vmul.f32 v3, v4;
	_ =	sdelay $0x1  }
0x70: {  	v4 =	vsub.f32 $1.500000000e+00, v4;
	_ =	sdelay $0x1  }
0x71: {  	v3 =	vmul.f32 v3, v4;
	_ =	sdelay $0x1  }
0x72: {  	v4 =	vmul.f32 v3, v2;
	_ =	sdelay $0x1  }
0x73: {  	v4 =	vmul.f32 v4, v3;
	_ =	sdelay $0x1  }
0x74: {  	v4 =	vsub.f32 $1.500000000e+00, v4;
	_ =	sdelay $0x1  }
0x75: {  	v3 =	vmul.f32 v4, v3;
	_ =	sdelay $0x1  }
0x76: {  	v2 =	vmul.f32 v3, v2;
	_ =	sdelay $0x1  }
0x77: {  	v2 =	vmul.f32 v2, v3;
	_ =	sdelay $0x1  }
.Ltmp4:
0x78: {  	v2 =	vsub.f32 $1.500000000e+00, v2;
	(pc) =	sbr.rel @p1 .LBB2_10-.Ltmp4, $3  }
0x79: {  	_ = 	snop  }
0x7a: {  	v2 =	vmul.f32 v2, v3;
	_ =	sdelay $0x1  }
0x7b: {  	[tilespmem:s16+$0xF000] =	vst v2;
	s16 =	sshra.s32 s17, $0x2;
	s17 =	sadd.s32 $0x40, s17  }
0x7c: {  	v2 =	vld [tilespmem:s16+$0xF000];
	_ =	sdelay $0x4  }
0x7d: {  	v3 =	vshra.s32 v2, $0x1;
	v2 =	vmul.f32 $5.000000000e-01, v2  }
0x7e: {  	v3 =	vsub.s32 $0x5F3759DF, v3  }
0x7f: {  	v4 =	vmul.f32 v3, v2;
	_ =	sdelay $0x1  }
0x80: {  	v4 =	vmul.f32 v3, v4;
	_ =	sdelay $0x1  }
0x81: {  	v4 =	vsub.f32 $1.500000000e+00, v4;
	_ =	sdelay $0x1  }
0x82: {  	v3 =	vmul.f32 v3, v4;
	_ =	sdelay $0x1  }
0x83: {  	v4 =	vmul.f32 v3, v2;
	_ =	sdelay $0x1  }
0x84: {  	v4 =	vmul.f32 v4, v3;
	_ =	sdelay $0x1  }
0x85: {  	v4 =	vsub.f32 $1.500000000e+00, v4;
	_ =	sdelay $0x1  }
0x86: {  	v3 =	vmul.f32 v4, v3;
	_ =	sdelay $0x1  }
0x87: {  	v2 =	vmul.f32 v3, v2;
	_ =	sdelay $0x1  }
0x88: {  	v2 =	vmul.f32 v2, v3;
	_ =	sdelay $0x1  }
0x89: {  	v2 =	vsub.f32 $1.500000000e+00, v2;
	_ =	sdelay $0x1  }
0x8a: {  	v2 =	vmul.f32 v2, v3  }
0x8b: {  	s2 =	sadd.s32 $0x1, s2  }
0x8c: {  	s17 =	simm.s32 @!p0 $0xF000;
	p1 =	sne.s32 s2, s8;
	[tilespmem:s16+$0xF000] =	vst v2;
	s16 =	simm.s32 @!p0 $0x0  }
0x8d: {  	[hbm4b:s7+s16] =	stream.linear.scatter @!p0 [tilespmem:s17], [sflag:$0x1], $0x280, $0x38;
	[tilespmem:$0xF500] =	vst v63  }
.Ltmp5:
0x8e: {  	_ = 	snop;
	(pc) =	sbr.rel @p1 .LBB2_1-.Ltmp5, $4  }
0x8f: {  	s16 =	simm.s32 @!p0 $0x1  }
0x90: {  	_ =	swait.ge @!p0 [sflag:s16], $0x280  }
0x91: {  	[sflag:s16] =	ssyncset.done @!p0 $0x0  }
0x92: {  	[sflag:s16] =	ssyncadd.s32 @!p0 $0xFFFFFD80  }
0x93: {  	_ =	sfence.sel $0x180000  }
0x94: {  	[bflag:$0x0] =	sbarrier.arrive $0xFFFF  }
0x95: {  	p0 =	sne.s32 s1, $0x0;
	_ =	strace $0x90000047  }
0x96: {  	s0 =	sadd.s32 @!p0 $0x100000, s0;
	[bflag:$0x2] =	sbarrier.arrive $0xFFFF  }
0x97: {  	[sflag:s0] =	ssyncadd.tile.s32 @!p0 $0x1;
	_ =	shalt  }
.Lfunc_end2:
_tile_overlayer_lowered:
.L_overlay_start_2:
0x98: {  	(tag) =	ssettag $0x2  }
0x99: {  	s0 =	rddreg [dreg:$0x0];
	s2 =	stileid.u32  }
0x9a: {  	s1 =	rddreg [dreg:$0x1];
	p0 =	sne.s32 s2, $0x0  }
0x9b: {  	s3 =	rddreg [dreg:$0x2];
	[bflag:$0x3] =	sbarrier.arrive $0xFFFF;
	s2 =	simm.s32 @!p0 $0x1C01  }
0x9c: {  	[timem:s3], [sflag:s2] =	dma.local @!p0 [hbm:s0], s1  }
0x9d: {  	s0 =	simm.s32 @!p0 $0x1  }
0x9e: {  	_ =	swait.ge @!p0 [sflag:s0], s1  }
0x9f: {  	s1 =	ssub.s32 @!p0 $0x0, s1;
	[sflag:s0] =	ssyncset.done @!p0 $0x0  }
0xa0: {  	[sflag:s0] =	ssyncadd.s32 @!p0 s1  }
0xa1: {  	[bflag:$0x3] =	sbarrier.arrive $0xFFFF  }
0xa2: {  	_ =	shalt  }

</sc_bundles>
